<compile_context>
chip_gen: v7x
topology: tpu7x:2x2x1
jax: 0.10.2.dev20260603
libtpu: 0.0.44.dev20260713+nightly
codegen_flags: <defaults>
</compile_context>

<pallas_src>
import functools
import jax
import jax.numpy as jnp
from jax import lax
from jax.experimental import pallas as pl
from jax.experimental.pallas import tpu as pltpu
from jax.experimental.pallas import tpu_sc as plsc

N_USER = 100000
N_ITEM = 50000
EMBED = 128

TC_GRID = 4
TC_ROWS = 25000

NW = 32
I_SLAB = 1568
CHUNK = 504


def _tc_copy(u_in, u_out):
    u_out[...] = u_in[...]


def _chunks(total):
    sizes = [CHUNK] * (total // CHUNK)
    if total % CHUNK:
        sizes.append(total % CHUNK)
    offs = [CHUNK * i for i in range(len(sizes))]
    return list(zip(offs, sizes))


def _sc_copy(i_in, i_out, buf_a, buf_b, rs_a, rs_b, ws_a, ws_b):
    wid = lax.axis_index("s") * 2 + lax.axis_index("c")
    i_base = jnp.minimum(wid * I_SLAB, N_ITEM - I_SLAB)

    work = _chunks(I_SLAB)
    bufs = [buf_a, buf_b]
    rsems = [rs_a, rs_b]
    wsems = [ws_a, ws_b]

    writes = [None] * len(work)
    for idx, (off, sz) in enumerate(work):
        b = idx % 2
        if idx >= 2:
            writes[idx - 2].wait()
        rd = pltpu.make_async_copy(
            i_in.at[pl.ds(i_base + off, sz)], bufs[b].at[pl.ds(0, sz)],
            rsems[b])
        rd.start()
        rd.wait()
        wr = pltpu.make_async_copy(
            bufs[b].at[pl.ds(0, sz)], i_out.at[pl.ds(i_base + off, sz)],
            wsems[b])
        wr.start()
        writes[idx] = wr
    writes[-2].wait()
    writes[-1].wait()


def kernel(embed_user, embed_item):
    mesh = plsc.VectorSubcoreMesh(core_axis_name="c", subcore_axis_name="s")
    sc_k = functools.partial(
        pl.kernel,
        mesh=mesh,
        out_type=jax.ShapeDtypeStruct((N_ITEM, EMBED), jnp.float32),
        scratch_types=[
            pltpu.VMEM((CHUNK, EMBED), jnp.float32),
            pltpu.VMEM((CHUNK, EMBED), jnp.float32),
            pltpu.SemaphoreType.DMA,
            pltpu.SemaphoreType.DMA,
            pltpu.SemaphoreType.DMA,
            pltpu.SemaphoreType.DMA,
        ],
    )(_sc_copy)
    item_out = sc_k(embed_item)

    user_out = embed_user + jnp.float32(0.0)
    return (user_out, item_out)

# --- scband reference (transcript-rebuilt; emitter-appended) ---
"""Pipeline reference for scband-rel-graph-embed-1520418423098 (READ-ONLY COPY).

The authoritative reference and input builder live on the scoring server;
editing this copy changes nothing except your own understanding.
"""

import jax, jax.numpy as jnp
import numpy as np

# RelGraphEmbed: per-node-type embedding tables for a featureless heterograph.
# The torch module's __init__ takes a DGL heterograph g; here we model a graph with
# two node types ('user': 100000 nodes, 'item': 50000 nodes) and embed_size=128.
# forward() simply returns the ParameterDict of embedding tables (no block given).

N_USER = 100000
N_ITEM = 50000
EMBED_SIZE = 128


def _xavier_normal(key, shape):
    fan_in, fan_out = shape[0], shape[1]
    std = np.sqrt(2.0 / (fan_in + fan_out))
    return jax.random.normal(key, shape, dtype=jnp.float32) * std


def setup_inputs(seed: int = 0) -> dict:
    key = jax.random.key(seed)
    k1, k2 = jax.random.split(key)
    embed_user = _xavier_normal(k1, (N_USER, EMBED_SIZE))
    embed_item = _xavier_normal(k2, (N_ITEM, EMBED_SIZE))
    return {"embed_user": embed_user, "embed_item": embed_item}


def reference(embed_user, embed_item):
    # RelGraphEmbed.forward(block=None) returns the dict of per-ntype embedding
    # parameters unchanged (an identity over the learned tables). We return them
    # as a tuple keyed in ntype order ('user', 'item').
    return (embed_user, embed_item)

if __name__ == "__main__":
    import jax
    _d = setup_inputs()
    print(jax.jit(kernel)(*tuple(_d.values())))

</pallas_src>

<mosaic_0001>
#map = affine_map<(d0, d1) -> (0, 0)>
module attributes {stable_mosaic.version = 14 : i64} {
  func.func @_sc_copy(%arg0: i32, %arg1: i32, %arg2: memref<50000x128xf32, #tpu.memory_space<hbm>>, %arg3: memref<50000x128xf32, #tpu.memory_space<hbm>>, %arg4: memref<504x128xf32, #tpu.memory_space<vmem>>, %arg5: memref<504x128xf32, #tpu.memory_space<vmem>>, %arg6: memref<!tpu.dma_semaphore, #tpu.memory_space<semaphore_mem>>, %arg7: memref<!tpu.dma_semaphore, #tpu.memory_space<semaphore_mem>>, %arg8: memref<!tpu.dma_semaphore, #tpu.memory_space<semaphore_mem>>, %arg9: memref<!tpu.dma_semaphore, #tpu.memory_space<semaphore_mem>>) attributes {dimension_semantics = [#tpu.dimension_semantics<core_parallel>, #tpu.dimension_semantics<subcore_parallel>], iteration_bounds = array<i64: 2, 16>, scalar_prefetch = 0 : i64, scratch_operands = 6 : i64, tpu.core_type = #tpu.core_type<sc_vector_subcore>, window_params = [{transform_indices = #map}, {transform_indices = #map}]} {
    %mul3A = arith.constant 2 : i32
    %mul3A_0 = arith.muli %arg1, %mul3A : i32
    %add3A = arith.addi %mul3A_0, %arg0 : i32
    %mul3A_1 = arith.constant 1568 : i32
    %mul3A_2 = arith.muli %add3A, %mul3A_1 : i32
    %min3A = arith.constant 48432 : i32
    %min3A_3 = arith.minsi %mul3A_2, %min3A : i32
    %add3A_4 = arith.constant 0 : i32
    %add3A_5 = arith.addi %min3A_3, %add3A_4 : i32
    %dma_start3A = arith.constant 0 : i32
    %dma_start3A_6 = arith.constant 0 : i32
    %dma_start3A_7 = tpu.memref_slice %arg4[%dma_start3A, %dma_start3A_6] : memref<504x128xf32, #tpu.memory_space<vmem>> -> memref<504x128xf32, #tpu.memory_space<vmem>>
    %dma_start3A_8 = arith.constant 0 : i32
    %dma_start3A_9 = tpu.memref_slice %arg2[%add3A_5, %dma_start3A_8] : memref<50000x128xf32, #tpu.memory_space<hbm>> -> memref<504x128xf32, #tpu.memory_space<hbm>>
    %dma_start3A_10 = arith.constant 0 : i32
    %dma_start3A_11 = arith.constant 0 : i32
    %dma_start3A_12 = tpu.memref_slice %arg4[%dma_start3A_10, %dma_start3A_11] : memref<504x128xf32, #tpu.memory_space<vmem>> -> memref<504x128xf32, #tpu.memory_space<vmem>>
    %dma_start3A_13 = arith.constant 0 : i32
    %dma_start3A_14 = tpu.memref_slice %arg2[%add3A_5, %dma_start3A_13] : memref<50000x128xf32, #tpu.memory_space<hbm>> -> memref<504x128xf32, #tpu.memory_space<hbm>>
    tpu.enqueue_dma source(%dma_start3A_14 : memref<504x128xf32, #tpu.memory_space<hbm>>) target(%dma_start3A_12 : memref<504x128xf32, #tpu.memory_space<vmem>>) target_semaphore(%arg6 : memref<!tpu.dma_semaphore, #tpu.memory_space<semaphore_mem>>)
    %dma_wait3A = arith.constant 0 : i32
    %dma_wait3A_15 = arith.constant 0 : i32
    %dma_wait3A_16 = tpu.memref_slice %arg4[%dma_wait3A, %dma_wait3A_15] : memref<504x128xf32, #tpu.memory_space<vmem>> -> memref<504x128xf32, #tpu.memory_space<vmem>>
    %dma_wait3A_17 = arith.constant 0 : i32
    %dma_wait3A_18 = tpu.memref_slice %arg2[%add3A_5, %dma_wait3A_17] : memref<50000x128xf32, #tpu.memory_space<hbm>> -> memref<504x128xf32, #tpu.memory_space<hbm>>
    %dma_wait3A_19 = arith.constant 0 : i32
    %dma_wait3A_20 = arith.constant 0 : i32
    %dma_wait3A_21 = tpu.memref_slice %arg4[%dma_wait3A_19, %dma_wait3A_20] : memref<504x128xf32, #tpu.memory_space<vmem>> -> memref<504x128xf32, #tpu.memory_space<vmem>>
    %dma_wait3A_22 = arith.constant 0 : i32
    %dma_wait3A_23 = tpu.memref_slice %arg2[%add3A_5, %dma_wait3A_22] : memref<50000x128xf32, #tpu.memory_space<hbm>> -> memref<504x128xf32, #tpu.memory_space<hbm>>
    tpu.wait_dma2 semaphore(%arg6 : memref<!tpu.dma_semaphore, #tpu.memory_space<semaphore_mem>>) src(%dma_wait3A_23 : memref<504x128xf32, #tpu.memory_space<hbm>>) dst(%dma_wait3A_21 : memref<504x128xf32, #tpu.memory_space<vmem>>)
    %add3A_24 = arith.constant 0 : i32
    %add3A_25 = arith.addi %min3A_3, %add3A_24 : i32
    %dma_start3A_26 = arith.constant 0 : i32
    %dma_start3A_27 = arith.constant 0 : i32
    %dma_start3A_28 = tpu.memref_slice %arg4[%dma_start3A_26, %dma_start3A_27] : memref<504x128xf32, #tpu.memory_space<vmem>> -> memref<504x128xf32, #tpu.memory_space<vmem>>
    %dma_start3A_29 = arith.constant 0 : i32
    %dma_start3A_30 = tpu.memref_slice %arg3[%add3A_25, %dma_start3A_29] : memref<50000x128xf32, #tpu.memory_space<hbm>> -> memref<504x128xf32, #tpu.memory_space<hbm>>
    %dma_start3A_31 = arith.constant 0 : i32
    %dma_start3A_32 = tpu.memref_slice %arg3[%add3A_25, %dma_start3A_31] : memref<50000x128xf32, #tpu.memory_space<hbm>> -> memref<504x128xf32, #tpu.memory_space<hbm>>
    %dma_start3A_33 = arith.constant 0 : i32
    %dma_start3A_34 = arith.constant 0 : i32
    %dma_start3A_35 = tpu.memref_slice %arg4[%dma_start3A_33, %dma_start3A_34] : memref<504x128xf32, #tpu.memory_space<vmem>> -> memref<504x128xf32, #tpu.memory_space<vmem>>
    tpu.enqueue_dma source(%dma_start3A_35 : memref<504x128xf32, #tpu.memory_space<vmem>>) target(%dma_start3A_32 : memref<504x128xf32, #tpu.memory_space<hbm>>) target_semaphore(%arg8 : memref<!tpu.dma_semaphore, #tpu.memory_space<semaphore_mem>>)
    %add3A_36 = arith.constant 504 : i32
    %add3A_37 = arith.addi %min3A_3, %add3A_36 : i32
    %dma_start3A_38 = arith.constant 0 : i32
    %dma_start3A_39 = arith.constant 0 : i32
    %dma_start3A_40 = tpu.memref_slice %arg5[%dma_start3A_38, %dma_start3A_39] : memref<504x128xf32, #tpu.memory_space<vmem>> -> memref<504x128xf32, #tpu.memory_space<vmem>>
    %dma_start3A_41 = arith.constant 0 : i32
    %dma_start3A_42 = tpu.memref_slice %arg2[%add3A_37, %dma_start3A_41] : memref<50000x128xf32, #tpu.memory_space<hbm>> -> memref<504x128xf32, #tpu.memory_space<hbm>>
    %dma_start3A_43 = arith.constant 0 : i32
    %dma_start3A_44 = arith.constant 0 : i32
    %dma_start3A_45 = tpu.memref_slice %arg5[%dma_start3A_43, %dma_start3A_44] : memref<504x128xf32, #tpu.memory_space<vmem>> -> memref<504x128xf32, #tpu.memory_space<vmem>>
    %dma_start3A_46 = arith.constant 0 : i32
    %dma_start3A_47 = tpu.memref_slice %arg2[%add3A_37, %dma_start3A_46] : memref<50000x128xf32, #tpu.memory_space<hbm>> -> memref<504x128xf32, #tpu.memory_space<hbm>>
    tpu.enqueue_dma source(%dma_start3A_47 : memref<504x128xf32, #tpu.memory_space<hbm>>) target(%dma_start3A_45 : memref<504x128xf32, #tpu.memory_space<vmem>>) target_semaphore(%arg7 : memref<!tpu.dma_semaphore, #tpu.memory_space<semaphore_mem>>)
    %dma_wait3A_48 = arith.constant 0 : i32
    %dma_wait3A_49 = arith.constant 0 : i32
    %dma_wait3A_50 = tpu.memref_slice %arg5[%dma_wait3A_48, %dma_wait3A_49] : memref<504x128xf32, #tpu.memory_space<vmem>> -> memref<504x128xf32, #tpu.memory_space<vmem>>
    %dma_wait3A_51 = arith.constant 0 : i32
    %dma_wait3A_52 = tpu.memref_slice %arg2[%add3A_37, %dma_wait3A_51] : memref<50000x128xf32, #tpu.memory_space<hbm>> -> memref<504x128xf32, #tpu.memory_space<hbm>>
    %dma_wait3A_53 = arith.constant 0 : i32
    %dma_wait3A_54 = arith.constant 0 : i32
    %dma_wait3A_55 = tpu.memref_slice %arg5[%dma_wait3A_53, %dma_wait3A_54] : memref<504x128xf32, #tpu.memory_space<vmem>> -> memref<504x128xf32, #tpu.memory_space<vmem>>
    %dma_wait3A_56 = arith.constant 0 : i32
    %dma_wait3A_57 = tpu.memref_slice %arg2[%add3A_37, %dma_wait3A_56] : memref<50000x128xf32, #tpu.memory_space<hbm>> -> memref<504x128xf32, #tpu.memory_space<hbm>>
    tpu.wait_dma2 semaphore(%arg7 : memref<!tpu.dma_semaphore, #tpu.memory_space<semaphore_mem>>) src(%dma_wait3A_57 : memref<504x128xf32, #tpu.memory_space<hbm>>) dst(%dma_wait3A_55 : memref<504x128xf32, #tpu.memory_space<vmem>>)
    %add3A_58 = arith.constant 504 : i32
    %add3A_59 = arith.addi %min3A_3, %add3A_58 : i32
    %dma_start3A_60 = arith.constant 0 : i32
    %dma_start3A_61 = arith.constant 0 : i32
    %dma_start3A_62 = tpu.memref_slice %arg5[%dma_start3A_60, %dma_start3A_61] : memref<504x128xf32, #tpu.memory_space<vmem>> -> memref<504x128xf32, #tpu.memory_space<vmem>>
    %dma_start3A_63 = arith.constant 0 : i32
    %dma_start3A_64 = tpu.memref_slice %arg3[%add3A_59, %dma_start3A_63] : memref<50000x128xf32, #tpu.memory_space<hbm>> -> memref<504x128xf32, #tpu.memory_space<hbm>>
    %dma_start3A_65 = arith.constant 0 : i32
    %dma_start3A_66 = tpu.memref_slice %arg3[%add3A_59, %dma_start3A_65] : memref<50000x128xf32, #tpu.memory_space<hbm>> -> memref<504x128xf32, #tpu.memory_space<hbm>>
    %dma_start3A_67 = arith.constant 0 : i32
    %dma_start3A_68 = arith.constant 0 : i32
    %dma_start3A_69 = tpu.memref_slice %arg5[%dma_start3A_67, %dma_start3A_68] : memref<504x128xf32, #tpu.memory_space<vmem>> -> memref<504x128xf32, #tpu.memory_space<vmem>>
    tpu.enqueue_dma source(%dma_start3A_69 : memref<504x128xf32, #tpu.memory_space<vmem>>) target(%dma_start3A_66 : memref<504x128xf32, #tpu.memory_space<hbm>>) target_semaphore(%arg9 : memref<!tpu.dma_semaphore, #tpu.memory_space<semaphore_mem>>)
    %dma_wait3A_70 = arith.constant 0 : i32
    %dma_wait3A_71 = arith.constant 0 : i32
    %dma_wait3A_72 = tpu.memref_slice %arg4[%dma_wait3A_70, %dma_wait3A_71] : memref<504x128xf32, #tpu.memory_space<vmem>> -> memref<504x128xf32, #tpu.memory_space<vmem>>
    %dma_wait3A_73 = arith.constant 0 : i32
    %dma_wait3A_74 = tpu.memref_slice %arg3[%add3A_25, %dma_wait3A_73] : memref<50000x128xf32, #tpu.memory_space<hbm>> -> memref<504x128xf32, #tpu.memory_space<hbm>>
    %dma_wait3A_75 = arith.constant 0 : i32
    %dma_wait3A_76 = tpu.memref_slice %arg3[%add3A_25, %dma_wait3A_75] : memref<50000x128xf32, #tpu.memory_space<hbm>> -> memref<504x128xf32, #tpu.memory_space<hbm>>
    %dma_wait3A_77 = arith.constant 0 : i32
    %dma_wait3A_78 = arith.constant 0 : i32
    %dma_wait3A_79 = tpu.memref_slice %arg4[%dma_wait3A_77, %dma_wait3A_78] : memref<504x128xf32, #tpu.memory_space<vmem>> -> memref<504x128xf32, #tpu.memory_space<vmem>>
    tpu.wait_dma2 semaphore(%arg8 : memref<!tpu.dma_semaphore, #tpu.memory_space<semaphore_mem>>) src(%dma_wait3A_79 : memref<504x128xf32, #tpu.memory_space<vmem>>) dst(%dma_wait3A_76 : memref<504x128xf32, #tpu.memory_space<hbm>>)
    %add3A_80 = arith.constant 1008 : i32
    %add3A_81 = arith.addi %min3A_3, %add3A_80 : i32
    %dma_start3A_82 = arith.constant 0 : i32
    %dma_start3A_83 = arith.constant 0 : i32
    %dma_start3A_84 = tpu.memref_slice %arg4[%dma_start3A_82, %dma_start3A_83] : memref<504x128xf32, #tpu.memory_space<vmem>> -> memref<504x128xf32, #tpu.memory_space<vmem>>
    %dma_start3A_85 = arith.constant 0 : i32
    %dma_start3A_86 = tpu.memref_slice %arg2[%add3A_81, %dma_start3A_85] : memref<50000x128xf32, #tpu.memory_space<hbm>> -> memref<504x128xf32, #tpu.memory_space<hbm>>
    %dma_start3A_87 = arith.constant 0 : i32
    %dma_start3A_88 = arith.constant 0 : i32
    %dma_start3A_89 = tpu.memref_slice %arg4[%dma_start3A_87, %dma_start3A_88] : memref<504x128xf32, #tpu.memory_space<vmem>> -> memref<504x128xf32, #tpu.memory_space<vmem>>
    %dma_start3A_90 = arith.constant 0 : i32
    %dma_start3A_91 = tpu.memref_slice %arg2[%add3A_81, %dma_start3A_90] : memref<50000x128xf32, #tpu.memory_space<hbm>> -> memref<504x128xf32, #tpu.memory_space<hbm>>
    tpu.enqueue_dma source(%dma_start3A_91 : memref<504x128xf32, #tpu.memory_space<hbm>>) target(%dma_start3A_89 : memref<504x128xf32, #tpu.memory_space<vmem>>) target_semaphore(%arg6 : memref<!tpu.dma_semaphore, #tpu.memory_space<semaphore_mem>>)
    %dma_wait3A_92 = arith.constant 0 : i32
    %dma_wait3A_93 = arith.constant 0 : i32
    %dma_wait3A_94 = tpu.memref_slice %arg4[%dma_wait3A_92, %dma_wait3A_93] : memref<504x128xf32, #tpu.memory_space<vmem>> -> memref<504x128xf32, #tpu.memory_space<vmem>>
    %dma_wait3A_95 = arith.constant 0 : i32
    %dma_wait3A_96 = tpu.memref_slice %arg2[%add3A_81, %dma_wait3A_95] : memref<50000x128xf32, #tpu.memory_space<hbm>> -> memref<504x128xf32, #tpu.memory_space<hbm>>
    %dma_wait3A_97 = arith.constant 0 : i32
    %dma_wait3A_98 = arith.constant 0 : i32
    %dma_wait3A_99 = tpu.memref_slice %arg4[%dma_wait3A_97, %dma_wait3A_98] : memref<504x128xf32, #tpu.memory_space<vmem>> -> memref<504x128xf32, #tpu.memory_space<vmem>>
    %dma_wait3A_100 = arith.constant 0 : i32
    %dma_wait3A_101 = tpu.memref_slice %arg2[%add3A_81, %dma_wait3A_100] : memref<50000x128xf32, #tpu.memory_space<hbm>> -> memref<504x128xf32, #tpu.memory_space<hbm>>
    tpu.wait_dma2 semaphore(%arg6 : memref<!tpu.dma_semaphore, #tpu.memory_space<semaphore_mem>>) src(%dma_wait3A_101 : memref<504x128xf32, #tpu.memory_space<hbm>>) dst(%dma_wait3A_99 : memref<504x128xf32, #tpu.memory_space<vmem>>)
    %add3A_102 = arith.constant 1008 : i32
    %add3A_103 = arith.addi %min3A_3, %add3A_102 : i32
    %dma_start3A_104 = arith.constant 0 : i32
    %dma_start3A_105 = arith.constant 0 : i32
    %dma_start3A_106 = tpu.memref_slice %arg4[%dma_start3A_104, %dma_start3A_105] : memref<504x128xf32, #tpu.memory_space<vmem>> -> memref<504x128xf32, #tpu.memory_space<vmem>>
    %dma_start3A_107 = arith.constant 0 : i32
    %dma_start3A_108 = tpu.memref_slice %arg3[%add3A_103, %dma_start3A_107] : memref<50000x128xf32, #tpu.memory_space<hbm>> -> memref<504x128xf32, #tpu.memory_space<hbm>>
    %dma_start3A_109 = arith.constant 0 : i32
    %dma_start3A_110 = tpu.memref_slice %arg3[%add3A_103, %dma_start3A_109] : memref<50000x128xf32, #tpu.memory_space<hbm>> -> memref<504x128xf32, #tpu.memory_space<hbm>>
    %dma_start3A_111 = arith.constant 0 : i32
    %dma_start3A_112 = arith.constant 0 : i32
    %dma_start3A_113 = tpu.memref_slice %arg4[%dma_start3A_111, %dma_start3A_112] : memref<504x128xf32, #tpu.memory_space<vmem>> -> memref<504x128xf32, #tpu.memory_space<vmem>>
    tpu.enqueue_dma source(%dma_start3A_113 : memref<504x128xf32, #tpu.memory_space<vmem>>) target(%dma_start3A_110 : memref<504x128xf32, #tpu.memory_space<hbm>>) target_semaphore(%arg8 : memref<!tpu.dma_semaphore, #tpu.memory_space<semaphore_mem>>)
    %dma_wait3A_114 = arith.constant 0 : i32
    %dma_wait3A_115 = arith.constant 0 : i32
    %dma_wait3A_116 = tpu.memref_slice %arg5[%dma_wait3A_114, %dma_wait3A_115] : memref<504x128xf32, #tpu.memory_space<vmem>> -> memref<504x128xf32, #tpu.memory_space<vmem>>
    %dma_wait3A_117 = arith.constant 0 : i32
    %dma_wait3A_118 = tpu.memref_slice %arg3[%add3A_59, %dma_wait3A_117] : memref<50000x128xf32, #tpu.memory_space<hbm>> -> memref<504x128xf32, #tpu.memory_space<hbm>>
    %dma_wait3A_119 = arith.constant 0 : i32
    %dma_wait3A_120 = tpu.memref_slice %arg3[%add3A_59, %dma_wait3A_119] : memref<50000x128xf32, #tpu.memory_space<hbm>> -> memref<504x128xf32, #tpu.memory_space<hbm>>
    %dma_wait3A_121 = arith.constant 0 : i32
    %dma_wait3A_122 = arith.constant 0 : i32
    %dma_wait3A_123 = tpu.memref_slice %arg5[%dma_wait3A_121, %dma_wait3A_122] : memref<504x128xf32, #tpu.memory_space<vmem>> -> memref<504x128xf32, #tpu.memory_space<vmem>>
    tpu.wait_dma2 semaphore(%arg9 : memref<!tpu.dma_semaphore, #tpu.memory_space<semaphore_mem>>) src(%dma_wait3A_123 : memref<504x128xf32, #tpu.memory_space<vmem>>) dst(%dma_wait3A_120 : memref<504x128xf32, #tpu.memory_space<hbm>>)
    %add3A_124 = arith.constant 1512 : i32
    %add3A_125 = arith.addi %min3A_3, %add3A_124 : i32
    %dma_start3A_126 = arith.constant 0 : i32
    %dma_start3A_127 = arith.constant 0 : i32
    %dma_start3A_128 = tpu.memref_slice %arg5[%dma_start3A_126, %dma_start3A_127] : memref<504x128xf32, #tpu.memory_space<vmem>> -> memref<56x128xf32, #tpu.memory_space<vmem>>
    %dma_start3A_129 = arith.constant 0 : i32
    %dma_start3A_130 = tpu.memref_slice %arg2[%add3A_125, %dma_start3A_129] : memref<50000x128xf32, #tpu.memory_space<hbm>> -> memref<56x128xf32, #tpu.memory_space<hbm>>
    %dma_start3A_131 = arith.constant 0 : i32
    %dma_start3A_132 = arith.constant 0 : i32
    %dma_start3A_133 = tpu.memref_slice %arg5[%dma_start3A_131, %dma_start3A_132] : memref<504x128xf32, #tpu.memory_space<vmem>> -> memref<56x128xf32, #tpu.memory_space<vmem>>
    %dma_start3A_134 = arith.constant 0 : i32
    %dma_start3A_135 = tpu.memref_slice %arg2[%add3A_125, %dma_start3A_134] : memref<50000x128xf32, #tpu.memory_space<hbm>> -> memref<56x128xf32, #tpu.memory_space<hbm>>
    tpu.enqueue_dma source(%dma_start3A_135 : memref<56x128xf32, #tpu.memory_space<hbm>>) target(%dma_start3A_133 : memref<56x128xf32, #tpu.memory_space<vmem>>) target_semaphore(%arg7 : memref<!tpu.dma_semaphore, #tpu.memory_space<semaphore_mem>>)
    %dma_wait3A_136 = arith.constant 0 : i32
    %dma_wait3A_137 = arith.constant 0 : i32
    %dma_wait3A_138 = tpu.memref_slice %arg5[%dma_wait3A_136, %dma_wait3A_137] : memref<504x128xf32, #tpu.memory_space<vmem>> -> memref<56x128xf32, #tpu.memory_space<vmem>>
    %dma_wait3A_139 = arith.constant 0 : i32
    %dma_wait3A_140 = tpu.memref_slice %arg2[%add3A_125, %dma_wait3A_139] : memref<50000x128xf32, #tpu.memory_space<hbm>> -> memref<56x128xf32, #tpu.memory_space<hbm>>
    %dma_wait3A_141 = arith.constant 0 : i32
    %dma_wait3A_142 = arith.constant 0 : i32
    %dma_wait3A_143 = tpu.memref_slice %arg5[%dma_wait3A_141, %dma_wait3A_142] : memref<504x128xf32, #tpu.memory_space<vmem>> -> memref<56x128xf32, #tpu.memory_space<vmem>>
    %dma_wait3A_144 = arith.constant 0 : i32
    %dma_wait3A_145 = tpu.memref_slice %arg2[%add3A_125, %dma_wait3A_144] : memref<50000x128xf32, #tpu.memory_space<hbm>> -> memref<56x128xf32, #tpu.memory_space<hbm>>
    tpu.wait_dma2 semaphore(%arg7 : memref<!tpu.dma_semaphore, #tpu.memory_space<semaphore_mem>>) src(%dma_wait3A_145 : memref<56x128xf32, #tpu.memory_space<hbm>>) dst(%dma_wait3A_143 : memref<56x128xf32, #tpu.memory_space<vmem>>)
    %add3A_146 = arith.constant 1512 : i32
    %add3A_147 = arith.addi %min3A_3, %add3A_146 : i32
    %dma_start3A_148 = arith.constant 0 : i32
    %dma_start3A_149 = arith.constant 0 : i32
    %dma_start3A_150 = tpu.memref_slice %arg5[%dma_start3A_148, %dma_start3A_149] : memref<504x128xf32, #tpu.memory_space<vmem>> -> memref<56x128xf32, #tpu.memory_space<vmem>>
    %dma_start3A_151 = arith.constant 0 : i32
    %dma_start3A_152 = tpu.memref_slice %arg3[%add3A_147, %dma_start3A_151] : memref<50000x128xf32, #tpu.memory_space<hbm>> -> memref<56x128xf32, #tpu.memory_space<hbm>>
    %dma_start3A_153 = arith.constant 0 : i32
    %dma_start3A_154 = tpu.memref_slice %arg3[%add3A_147, %dma_start3A_153] : memref<50000x128xf32, #tpu.memory_space<hbm>> -> memref<56x128xf32, #tpu.memory_space<hbm>>
    %dma_start3A_155 = arith.constant 0 : i32
    %dma_start3A_156 = arith.constant 0 : i32
    %dma_start3A_157 = tpu.memref_slice %arg5[%dma_start3A_155, %dma_start3A_156] : memref<504x128xf32, #tpu.memory_space<vmem>> -> memref<56x128xf32, #tpu.memory_space<vmem>>
    tpu.enqueue_dma source(%dma_start3A_157 : memref<56x128xf32, #tpu.memory_space<vmem>>) target(%dma_start3A_154 : memref<56x128xf32, #tpu.memory_space<hbm>>) target_semaphore(%arg9 : memref<!tpu.dma_semaphore, #tpu.memory_space<semaphore_mem>>)
    %dma_wait3A_158 = arith.constant 0 : i32
    %dma_wait3A_159 = arith.constant 0 : i32
    %dma_wait3A_160 = tpu.memref_slice %arg4[%dma_wait3A_158, %dma_wait3A_159] : memref<504x128xf32, #tpu.memory_space<vmem>> -> memref<504x128xf32, #tpu.memory_space<vmem>>
    %dma_wait3A_161 = arith.constant 0 : i32
    %dma_wait3A_162 = tpu.memref_slice %arg3[%add3A_103, %dma_wait3A_161] : memref<50000x128xf32, #tpu.memory_space<hbm>> -> memref<504x128xf32, #tpu.memory_space<hbm>>
    %dma_wait3A_163 = arith.constant 0 : i32
    %dma_wait3A_164 = tpu.memref_slice %arg3[%add3A_103, %dma_wait3A_163] : memref<50000x128xf32, #tpu.memory_space<hbm>> -> memref<504x128xf32, #tpu.memory_space<hbm>>
    %dma_wait3A_165 = arith.constant 0 : i32
    %dma_wait3A_166 = arith.constant 0 : i32
    %dma_wait3A_167 = tpu.memref_slice %arg4[%dma_wait3A_165, %dma_wait3A_166] : memref<504x128xf32, #tpu.memory_space<vmem>> -> memref<504x128xf32, #tpu.memory_space<vmem>>
    tpu.wait_dma2 semaphore(%arg8 : memref<!tpu.dma_semaphore, #tpu.memory_space<semaphore_mem>>) src(%dma_wait3A_167 : memref<504x128xf32, #tpu.memory_space<vmem>>) dst(%dma_wait3A_164 : memref<504x128xf32, #tpu.memory_space<hbm>>)
    %dma_wait3A_168 = arith.constant 0 : i32
    %dma_wait3A_169 = arith.constant 0 : i32
    %dma_wait3A_170 = tpu.memref_slice %arg5[%dma_wait3A_168, %dma_wait3A_169] : memref<504x128xf32, #tpu.memory_space<vmem>> -> memref<56x128xf32, #tpu.memory_space<vmem>>
    %dma_wait3A_171 = arith.constant 0 : i32
    %dma_wait3A_172 = tpu.memref_slice %arg3[%add3A_147, %dma_wait3A_171] : memref<50000x128xf32, #tpu.memory_space<hbm>> -> memref<56x128xf32, #tpu.memory_space<hbm>>
    %dma_wait3A_173 = arith.constant 0 : i32
    %dma_wait3A_174 = tpu.memref_slice %arg3[%add3A_147, %dma_wait3A_173] : memref<50000x128xf32, #tpu.memory_space<hbm>> -> memref<56x128xf32, #tpu.memory_space<hbm>>
    %dma_wait3A_175 = arith.constant 0 : i32
    %dma_wait3A_176 = arith.constant 0 : i32
    %dma_wait3A_177 = tpu.memref_slice %arg5[%dma_wait3A_175, %dma_wait3A_176] : memref<504x128xf32, #tpu.memory_space<vmem>> -> memref<56x128xf32, #tpu.memory_space<vmem>>
    tpu.wait_dma2 semaphore(%arg9 : memref<!tpu.dma_semaphore, #tpu.memory_space<semaphore_mem>>) src(%dma_wait3A_177 : memref<56x128xf32, #tpu.memory_space<vmem>>) dst(%dma_wait3A_174 : memref<56x128xf32, #tpu.memory_space<hbm>>)
    return
  }
}

</mosaic_0001>

<sc_bundles>
// kernel: kernel.3.cloned.1.call-start
scs
__scs_entry_jumppad:
0x0: {  	(pc) =	sbr.rel $0x88, $3  }
0x1: {  	(tag) =	ssettag $0x0;
	lr =	simm.s32 $0x1  }
0x2: {  	[smem:$0x3F9F] =	sst lr;
	_ =	strace $0xD0000000  }
0x3: {  	_ = 	snop  }
0x4: {  	_ = 	snop  }
0x5: {  	_ = 	snop  }
0x6: {  	_ = 	snop  }
0x7: {  	_ = 	snop  }
__scs_overlays_trampoline_lowered:
0x8: {  	[smem:$0x3FAE] =	sst s0  }
0x9: {  	[smem:$0x3FAF] =	sst s1  }
0xa: {  	[smem:$0x3FB0] =	sst s2  }
0xb: {  	[smem:$0x3FB1] =	sst s3  }
0xc: {  	[smem:$0x3FB2] =	sst s4  }
0xd: {  	[smem:$0x3FB3] =	sst s5  }
0xe: {  	[smem:$0x3FB4] =	sst s6  }
0xf: {  	[smem:$0x3FB5] =	sst s7  }
0x10: {  	[smem:$0x3FB6] =	sst s8  }
0x11: {  	[smem:$0x3FB7] =	sst s9;
	s0 =	simm.s32 @!p0 $0x0  }
0x12: {  	s1 =	sld [smem:$0x3F9D];
	s0 =	simm.s32 @p0 $0x1  }
0x13: {  	[smem:$0x3FB8] =	sst s0;
	s0 =	simm.s32 @!p1 $0x0  }
0x14: {  	s2 =	sld [smem:$0x3F9C];
	s0 =	simm.s32 @p1 $0x1  }
0x15: {  	[smem:$0x3FB9] =	sst s0;
	s0 =	simm.s32 @!p2 $0x0  }
0x16: {  	s3 =	sld [smem:$0x3FDB];
	s0 =	simm.s32 @p2 $0x1  }
0x17: {  	s4 =	simm.s32 $0x1BF5;
	[smem:$0x3FBB] =	sst s0  }
0x18: {  	s0 =	sld [smem:$0x3F9E];
	_ =	swait.ge [sflag:s4], $0x0  }
0x19: {  	s7 =	sld [smem:$0x3F9F]  }
0x1a: {  	s8 =	sadd.s32 $0xFFFFE003, lr  }
0x1b: {  	s9 =	sadd.s32 $0xFFFFFEF7, lr;
	s5 =	simm.s32 $0xFFFFFFFF;
	p2 =	slt.u32 s8, $0xFFFFF086  }
0x1c: {  	p1 =	slt.u32 s9, $0xF7A;
	s5 =	simm.s32 @!p2 $0x0  }
0x1d: {  	s5 =	simm.s32 @p1 $0x1;
	p0 =	seq.s32 s7, s2  }
0x1e: {  	s7 =	smul.u32 @!p0 $0xF7A, s2;
	p2 =	seq.s32 @!p0 s5, $0x0  }
0x1f: {  	s9 =	smul.u32 $0xF7A, s1;
	s8 =	simm.s32 @!p0 $0x1BF5;
	p2 =	por !p2, p0  }
0x20: {  	[sflag:s8] =	ssyncset.s32 @!p0 $0xFFFFF086;
	s6 =	sadd.s32 @!p0 s3, s7;
	s7 =	simm.s32 @!p0 $0x108  }
0x21: {  	s3 =	sadd.s32 s3, s9;
	s6 =	sadd.s32 @!p0 $0x88, s6;
	s7 =	simm.s32 @p2 $0x1082  }
0x22: {  	[simem:s7], [sflag:s8] =	dma.local @!p0 [hbm:s6], $0xF7A  }
0x23: {  	s9 =	sor.u32 $0xD0000000, s2;
	s6 =	simm.s32 $0x108;
	_ =	swait.ge @!p0 [sflag:s8], $0x0  }
0x24: {  	s3 =	sadd.s32 $0x88, s3;
	s6 =	simm.s32 @!p1 $0x1082;
	[sflag:s4] =	ssyncset.s32 $0xFFFFF086  }
0x25: {  	[simem:s6], [sflag:s4] =	dma.local [hbm:s3], $0xF7A  }
0x26: {  	[smem:$0x3F9F] =	sst s1;
	(tag) =	ssettag s2;
	_ =	strace s9  }
0x27: {  	s1 =	sld [smem:$0x3FAF]  }
0x28: {  	s2 =	sld [smem:$0x3FB0]  }
0x29: {  	s4 =	sld [smem:$0x3FB2]  }
0x2a: {  	p0 =	seq.s32 s5, $0x0;
	s5 =	sld [smem:$0x3FB3]  }
0x2b: {  	s6 =	sld [smem:$0x3FB4]  }
0x2c: {  	s7 =	sld [smem:$0x3FB5]  }
0x2d: {  	s3 =	simm.s32 $0x108;
	s8 =	sld [smem:$0x3FB6]  }
0x2e: {  	s3 =	simm.s32 @!p0 $0x1082;
	s9 =	sld [smem:$0x3FB7]  }
0x2f: {  	lr =	sadd.s32 s0, s3;
	s0 =	sld [smem:$0x3FAE]  }
0x30: {  	s3 =	sld [smem:$0x3FB1]  }
0x31: {  	[smem:$0x3FBA] =	sst s10  }
0x32: {  	s10 =	sld [smem:$0x3FB8];
	_ =	sdelay $0x3  }
0x33: {  	p0 =	seq.s32 s10, $0x1;
	s10 =	sld [smem:$0x3FBA];
	_ =	sdelay $0x3  }
0x34: {  	[smem:$0x3FBA] =	sst s10  }
0x35: {  	s10 =	sld [smem:$0x3FB9];
	_ =	sdelay $0x3  }
0x36: {  	p1 =	seq.s32 s10, $0x1;
	s10 =	sld [smem:$0x3FBA];
	_ =	sdelay $0x3  }
0x37: {  	[smem:$0x3FBA] =	sst s10  }
0x38: {  	s10 =	sld [smem:$0x3FBB]  }
0x39: {  	_ = 	snop;
	(pc) =	sbr.ind lr, $3  }
0x3a: {  	_ = 	snop  }
0x3b: {  	_ = 	snop  }
0x3c: {  	p2 =	seq.s32 s10, $0x1;
	s10 =	sld [smem:$0x3FBA]  }
0x3d: {  	_ =	shalt  }
0x3e: {  	_ =	shalt  }
0x3f: {  	_ =	shalt  }
0x40: {  	_ =	shalt  }
0x41: {  	_ =	shalt  }
0x42: {  	_ =	shalt  }
0x43: {  	_ =	shalt  }
0x44: {  	_ =	shalt  }
0x45: {  	_ =	shalt  }
0x46: {  	_ =	shalt  }
0x47: {  	_ =	shalt  }
0x48: {  	_ =	shalt  }
0x49: {  	_ =	shalt  }
0x4a: {  	_ =	shalt  }
0x4b: {  	_ =	shalt  }
0x4c: {  	_ =	shalt  }
0x4d: {  	_ =	shalt  }
0x4e: {  	_ =	shalt  }
0x4f: {  	_ =	shalt  }
0x50: {  	_ =	shalt  }
0x51: {  	_ =	shalt  }
0x52: {  	_ =	shalt  }
0x53: {  	_ =	shalt  }
0x54: {  	_ =	shalt  }
0x55: {  	_ =	shalt  }
0x56: {  	_ =	shalt  }
0x57: {  	_ =	shalt  }
0x58: {  	_ =	shalt  }
0x59: {  	_ =	shalt  }
0x5a: {  	_ =	shalt  }
0x5b: {  	_ =	shalt  }
0x5c: {  	_ =	shalt  }
0x5d: {  	_ =	shalt  }
0x5e: {  	_ =	shalt  }
0x5f: {  	_ =	shalt  }
0x60: {  	_ =	shalt  }
0x61: {  	_ =	shalt  }
0x62: {  	_ =	shalt  }
0x63: {  	_ =	shalt  }
0x64: {  	_ =	shalt  }
0x65: {  	_ =	shalt  }
0x66: {  	_ =	shalt  }
0x67: {  	_ =	shalt  }
0x68: {  	_ =	shalt  }
0x69: {  	_ =	shalt  }
0x6a: {  	_ =	shalt  }
0x6b: {  	_ =	shalt  }
0x6c: {  	_ =	shalt  }
0x6d: {  	_ =	shalt  }
0x6e: {  	_ =	shalt  }
0x6f: {  	_ =	shalt  }
0x70: {  	_ =	shalt  }
0x71: {  	_ =	shalt  }
0x72: {  	_ =	shalt  }
0x73: {  	_ =	shalt  }
0x74: {  	_ =	shalt  }
0x75: {  	_ =	shalt  }
0x76: {  	_ =	shalt  }
0x77: {  	_ =	shalt  }
0x78: {  	_ =	shalt  }
0x79: {  	_ =	shalt  }
0x7a: {  	_ =	shalt  }
0x7b: {  	_ =	shalt  }
0x7c: {  	_ =	shalt  }
0x7d: {  	_ =	shalt  }
0x7e: {  	_ =	shalt  }
0x7f: {  	_ =	shalt  }
0x80: {  	_ =	shalt  }
0x81: {  	_ =	shalt  }
0x82: {  	_ =	shalt  }
0x83: {  	_ =	shalt  }
0x84: {  	_ =	shalt  }
0x85: {  	_ =	shalt  }
0x86: {  	_ =	shalt  }
0x87: {  	_ =	shalt  }
.Lfunc_end0:
.L_simem_size_0:
called_computation_lowered:
.L_overlay_start_0:
0x88: {  	s2 =	sld [smem:$0x3FD9]  }
0x89: {  	s3 =	sld [smem:$0x3FFE];
	_ =	sdelay $0x1  }
0x8a: {  	s1 =	srdreg.scid  }
0x8b: {  	s0 =	sand.u32 $0x1, s1  }
0x8c: {  	s15 =	sshll.u32 s0, $0xA;
	s2 =	sadd.s32 s3, s2  }
0x8d: {  	s2 =	sadd.s32 s2, s15  }
0x8e: {  	[smem:$0x3FC6] =	sst s2  }
0x8f: {  	_ = 	snop  }
0x90: {  	s2 =	sld [smem:$0x3FD0];
	_ =	sdelay $0x2  }
0x91: {  	s4 =	simm.s32 $0xA;
	s5 =	simm.s32 $0x10;
	s16 =	sld [smem:$0x3FC8]  }
0x92: {  	[smem:s5], [sflag:s4] =	dma.local [hbm:s2], $0x1  }
0x93: {  	_ =	swait.eq [sflag:s4], $0x1  }
0x94: {  	[sflag:s4] =	ssyncset.done $0x0  }
0x95: {  	[sflag:s4] =	ssyncadd.s32 $0xFFFFFFFF  }
0x96: {  	s17 =	sld [smem:$0x11];
	(tm) =	ssettm $0x1  }
0x97: {  	s18 =	sld [smem:$0x3FFB];
	_ =	sdelay $0x3  }
0x98: {  	_ =	strace s18  }
0x99: {  	s4 =	sld [smem:$0x3FFC];
	_ =	sdelay $0x3  }
0x9a: {  	_ =	strace s4  }
0x9b: {  	s4 =	sld [smem:$0x3FFD];
	_ =	sdelay $0x3  }
0x9c: {  	_ =	strace s4  }
0x9d: {  	_ =	strace $0x8FFFFFFF  }
0x9e: {  	s19 =	sld [smem:$0x3FDB];
	_ =	sdelay $0x1  }
0x9f: {  	s20 =	simm.s32 $_scs_section_size  }
0xa0: {  	s6 =	simm.s32 $_size__tile_overlayer_lowered;
	s7 =	simm.s32 $_tile_overlayer_lowered  }
0xa1: {  	s23 =	simm.s32 $0x1BFF;
	s22 =	sshll.u32 s7, $0x1;
	s4 =	sadd.s32 s20, s19  }
0xa2: {  	s8 =	simm.s32 $0x0;
	s21 =	sshll.u32 s6, $0x1;
	s6 =	sadd.s32 s22, s4  }
0xa3: {  	[timem:s8], [sflag:s23] =	dma.local [hbm:s6], s21  }
0xa4: {  	_ =	swait.ge [sflag:s23], s21  }
0xa5: {  	s5 =	ssub.s32 $0x0, s21;
	[sflag:s23] =	ssyncset.done $0x0  }
0xa6: {  	[sflag:s23] =	ssyncadd.s32 s5;
	_ =	sdelay $0x1  }
0xa7: {  	s24 =	simm.s32 $0x1B8B  }
0xa8: {  	_ =	swait.ge [sflag:s24], $0x1  }
0xa9: {  	[sflag:s24] =	ssyncset.done $0x0  }
0xaa: {  	s25 =	simm.s32 $0x1B8E;
	[sflag:s24] =	ssyncadd.s32 $0xFFFFFFFF  }
0xab: {  	s26 =	simm.s32 $execute0_lowered;
	[smem:$0x3FD2] =	sst s25  }
0xac: {  	s5 =	sshll.u32 s26, $0x1;
	_ =	strace $0x80000046;
	[dreg:$0x1] =	wrdreg $0xFFFFFFFF  }
0xad: {  	s28 =	simm.s32 $_size_execute0_lowered;
	s4 =	sadd.s32 s4, s5;
	[dreg:$0x0] =	wrdreg $0x0  }
0xae: {  	s5 =	sshll.u32 s28, $0x1;
	[dreg:$0x2] =	wrdreg s4  }
0xaf: {  	[dreg:$0x3] =	wrdreg s5  }
0xb0: {  	[dreg:$0x4] =	wrdreg $0xC0  }
0xb1: {  	_ =	task [dreg:s8], $0x5FFFF  }
0xb2: {  	[dreg:$0x1] =	wrdreg $0xFFFFFFFF  }
0xb3: {  	[dreg:$0x0] =	wrdreg $0x60  }
0xb4: {  	[dreg:$0x2] =	wrdreg s16  }
0xb5: {  	[dreg:$0x3] =	wrdreg s17  }
0xb6: {  	[dreg:$0x4] =	wrdreg $0x9  }
0xb7: {  	_ =	task.clear_ibuf [dreg:s8], $0x5FFFF;
	_ =	strace $0x90000046  }
0xb8: {  	s29 =	simm.s32 $0x9;
	_ =	strace $0x80000048  }
0xb9: {  	_ =	swait.ge [sflag:s29], $0x1  }
0xba: {  	[sflag:s29] =	ssyncadd.s32 $0xFFFFFFFF  }
0xbb: {  	_ =	strace $0x90000048  }
0xbc: {  	_ =	sfence  }
0xbd: {  	s30 =	sld [smem:$0x0];
	_ =	sdelay $0x2  }
0xbe: {  	s31 =	sshll.u32 s1, $0xD;
	s1 =	sshrl.u32 s1, $0x2  }
0xbf: {  	s3 =	sand.u32 $0x4000, s31;
	s1 =	sadd.s32 s1, s30  }
0xc0: {  	s0 =	sor.u32 s3, s0;
	s1 =	sshll.u32 s1, $0x11  }
0xc1: {  	s0 =	sor.u32 s1, s0  }
0xc2: {  	s0 =	sadd.s32 $0x8F2B, s0  }
0xc3: {  	[sflag:s0] =	ssyncadd.remote.s32 $0x1  }
0xc4: {  	_ =	sfence.sel $0xFFFF  }
0xc5: {  	[dreg:$0x0] =	wrdreg $0xFFFFFFFF;
	(pc) =	sbr.abs _section_cstart, $3  }
0xc6: {  	[dreg:$0x1] =	wrdreg $0xFFFFFFFF  }
0xc7: {  	_ =	task.clear_ibuf [dreg:s8], $0x2FFFF;
	_ =	strace $0x9FFFFFFF  }
0xc8: {  	(tm) =	ssettm $0x7FFFFFFF  }
0xc9: {  	_ =	shalt  }
tec
execute0_lowered:
.L_overlay_start_1:
0x0: {  	(tag) =	ssettag $0x1  }
0x1: {  	s1 =	srdreg.scid;
	s0 =	stileid.u32  }
0x2: {  	s15 =	sand.u32 $0x1, s1;
	s30 =	sshll.u32 s0, $0x1  }
0x3: {  	s1 =	sor.u32 s15, s30  }
0x4: {  	s3 =	smul.u32 $0x620, s1  }
0x5: {  	s14 =	rddreg [dreg:$0x0]  }
0x6: {  	s16 =	rddreg [dreg:$0x1];
	s2 =	simm.s32 $0x0;
	s3 =	smin.u32 s3, $0xBD30  }
0x7: {  	s4 =	simm.s32 $0x1;
	[smem:$0x7FF] =	sst s2;
	s17 =	sshll.u32 s3, $0x4  }
0x8: {  	s1 =	rddreg [dreg:$0x2];
	_ =	strace $0x80000047;
	s3 =	sadd.s32 s14, s17  }
0x9: {  	[tilespmem:s2], [sflag:$0x1] =	stream.linear.gather [hbm4b:s3+s2], $0xFC00, $0x38;
	[tilespmem:$0x1F800] =	vst v63  }
0xa: {  	_ =	swait.ge [sflag:s4], $0xFC00  }
0xb: {  	[sflag:s4] =	ssyncset.done $0x0  }
0xc: {  	s5 =	sadd.s32 s16, s17;
	s9 =	sadd.s32 $0x1F80, s17;
	[sflag:s4] =	ssyncadd.s32 $0xFFFF0400  }
0xd: {  	[hbm4b:s5+s2] =	stream.linear.scatter [tilespmem:s2], [sflag:$0x3], $0xFC00, $0x38;
	[tilespmem:$0x1F800] =	vst v63  }
0xe: {  	s7 =	simm.s32 $0xFC00;
	s8 =	simm.s32 $0x2;
	s6 =	sadd.s32 s14, s9  }
0xf: {  	[tilespmem:s7], [sflag:$0x2] =	stream.linear.gather [hbm4b:s6+s2], $0xFC00, $0x38;
	[tilespmem:$0x1F800] =	vst v63  }
0x10: {  	_ =	swait.ge [sflag:s8], $0xFC00  }
0x11: {  	[sflag:s8] =	ssyncset.done $0x0  }
0x12: {  	s10 =	simm.s32 $0x3;
	s9 =	sadd.s32 s16, s9;
	[sflag:s8] =	ssyncadd.s32 $0xFFFF0400  }
0x13: {  	[hbm4b:s9+s2] =	stream.linear.scatter [tilespmem:s7], [sflag:$0x4], $0xFC00, $0x38;
	[tilespmem:$0x1F800] =	vst v63  }
0x14: {  	_ =	swait.ge [sflag:s10], $0xFC00  }
0x15: {  	s12 =	sadd.s32 $0x3F00, s17;
	[sflag:s10] =	ssyncset.done $0x0  }
0x16: {  	s11 =	sadd.s32 s14, s12;
	[sflag:s10] =	ssyncadd.s32 $0xFFFF0400  }
0x17: {  	[tilespmem:s2], [sflag:$0x1] =	stream.linear.gather [hbm4b:s11+s2], $0xFC00, $0x38;
	[tilespmem:$0x1F800] =	vst v63  }
0x18: {  	_ =	swait.ge [sflag:s4], $0xFC00  }
0x19: {  	[sflag:s4] =	ssyncset.done $0x0  }
0x1a: {  	s13 =	sadd.s32 s16, s12;
	s12 =	simm.s32 $0x4;
	[sflag:s4] =	ssyncadd.s32 $0xFFFF0400  }
0x1b: {  	[hbm4b:s13+s2] =	stream.linear.scatter [tilespmem:s2], [sflag:$0x3], $0xFC00, $0x38;
	[tilespmem:$0x1F800] =	vst v63  }
0x1c: {  	_ =	swait.ge [sflag:s12], $0xFC00  }
0x1d: {  	s18 =	ssub.s32 $0x2, s15;
	s17 =	sadd.s32 $0x5E80, s17;
	[sflag:s12] =	ssyncset.done $0x0  }
0x1e: {  	s31 =	sshrl.u32 s18, $0x1;
	s14 =	sadd.s32 s14, s17;
	[sflag:s12] =	ssyncadd.s32 $0xFFFF0400  }
0x1f: {  	[tilespmem:s7], [sflag:$0x2] =	stream.linear.gather [hbm4b:s14+s2], $0x1C00, $0x38;
	[tilespmem:$0x1F800] =	vst v63  }
0x20: {  	s15 =	sadd.s32 s16, s17;
	s16 =	ssub.s32 s18, s31;
	_ =	swait.ge [sflag:s8], $0x1C00  }
0x21: {  	s16 =	smax.u32 s16, $0x1;
	[sflag:s8] =	ssyncset.done $0x0  }
0x22: {  	p0 =	sne.s32 s16, $0x1;
	[sflag:s8] =	ssyncadd.s32 $0xFFFFE400  }
0x23: {  	[hbm4b:s15+s2] =	stream.linear.scatter [tilespmem:s7], [sflag:$0x4], $0x1C00, $0x38;
	[tilespmem:$0x1F800] =	vst v63  }
.Ltmp0:
0x24: {  	_ =	swait.ge [sflag:s10], $0xFC00;
	(pc) =	sbr.rel @!p0 .LBB2_2-.Ltmp0, $4  }
0x25: {  	[sflag:s10] =	ssyncset.done $0x0  }
0x26: {  	[sflag:s10] =	ssyncadd.s32 $0xFFFF0400  }
0x27: {  	_ =	swait.ge [sflag:s12], $0x1C00  }
0x28: {  	s16 =	sadd.s32 $0xFFFFFFFF, s16;
	[sflag:s12] =	ssyncset.done $0x0  }
.LBB2_1:
0x29: {  	p0 =	sne.s32 s16, $0x1;
	s16 =	sadd.s32 $0xFFFFFFFF, s16;
	[sflag:s12] =	ssyncadd.s32 $0xFFFFE400  }
0x2a: {  	[tilespmem:s2], [sflag:$0x1] =	stream.linear.gather [hbm4b:s3+s2], $0xFC00, $0x38;
	[tilespmem:$0x1F800] =	vst v63  }
0x2b: {  	_ =	swait.ge [sflag:s4], $0xFC00  }
0x2c: {  	[sflag:s4] =	ssyncset.done $0x0  }
0x2d: {  	[sflag:s4] =	ssyncadd.s32 $0xFFFF0400  }
0x2e: {  	[hbm4b:s5+s2] =	stream.linear.scatter [tilespmem:s2], [sflag:$0x3], $0xFC00, $0x38;
	[tilespmem:$0x1F800] =	vst v63  }
0x2f: {  	_ = 	snop  }
0x30: {  	[tilespmem:s7], [sflag:$0x2] =	stream.linear.gather [hbm4b:s6+s2], $0xFC00, $0x38;
	[tilespmem:$0x1F800] =	vst v63  }
0x31: {  	_ =	swait.ge [sflag:s8], $0xFC00  }
0x32: {  	[sflag:s8] =	ssyncset.done $0x0  }
0x33: {  	[sflag:s8] =	ssyncadd.s32 $0xFFFF0400  }
0x34: {  	[hbm4b:s9+s2] =	stream.linear.scatter [tilespmem:s7], [sflag:$0x4], $0xFC00, $0x38;
	[tilespmem:$0x1F800] =	vst v63  }
0x35: {  	_ =	swait.ge [sflag:s10], $0xFC00  }
0x36: {  	[sflag:s10] =	ssyncset.done $0x0  }
0x37: {  	[sflag:s10] =	ssyncadd.s32 $0xFFFF0400  }
0x38: {  	[tilespmem:s2], [sflag:$0x1] =	stream.linear.gather [hbm4b:s11+s2], $0xFC00, $0x38;
	[tilespmem:$0x1F800] =	vst v63  }
0x39: {  	_ =	swait.ge [sflag:s4], $0xFC00  }
0x3a: {  	[sflag:s4] =	ssyncset.done $0x0  }
0x3b: {  	[sflag:s4] =	ssyncadd.s32 $0xFFFF0400  }
0x3c: {  	[hbm4b:s13+s2] =	stream.linear.scatter [tilespmem:s2], [sflag:$0x3], $0xFC00, $0x38;
	[tilespmem:$0x1F800] =	vst v63  }
0x3d: {  	_ =	swait.ge [sflag:s12], $0xFC00  }
0x3e: {  	[sflag:s12] =	ssyncset.done $0x0  }
0x3f: {  	[sflag:s12] =	ssyncadd.s32 $0xFFFF0400  }
0x40: {  	[tilespmem:s7], [sflag:$0x2] =	stream.linear.gather [hbm4b:s14+s2], $0x1C00, $0x38;
	[tilespmem:$0x1F800] =	vst v63  }
0x41: {  	_ =	swait.ge [sflag:s8], $0x1C00  }
0x42: {  	[sflag:s8] =	ssyncset.done $0x0  }
0x43: {  	[sflag:s8] =	ssyncadd.s32 $0xFFFFE400  }
0x44: {  	[hbm4b:s15+s2] =	stream.linear.scatter [tilespmem:s7], [sflag:$0x4], $0x1C00, $0x38;
	[tilespmem:$0x1F800] =	vst v63  }
.Ltmp1:
0x45: {  	_ =	swait.ge [sflag:s10], $0xFC00;
	(pc) =	sbr.rel @p0 .LBB2_1-.Ltmp1, $4  }
0x46: {  	[sflag:s10] =	ssyncset.done $0x0  }
0x47: {  	[sflag:s10] =	ssyncadd.s32 $0xFFFF0400  }
0x48: {  	_ =	swait.ge [sflag:s12], $0x1C00  }
0x49: {  	[sflag:s12] =	ssyncset.done $0x0  }
.LBB2_2:
0x4a: {  	[sflag:s12] =	ssyncadd.s32 $0xFFFFE400  }
0x4b: {  	_ =	sfence.sel $0x180000  }
0x4c: {  	[bflag:$0x0] =	sbarrier.arrive $0xFFFF  }
0x4d: {  	p0 =	sne.s32 s0, $0x0;
	_ =	strace $0x90000047  }
0x4e: {  	s0 =	sadd.s32 @!p0 $0x100000, s1;
	[bflag:$0x2] =	sbarrier.arrive $0xFFFF  }
0x4f: {  	[sflag:s0] =	ssyncadd.tile.s32 @!p0 $0x1;
	_ =	shalt  }
.Lfunc_end2:
_tile_overlayer_lowered:
.L_overlay_start_2:
0x50: {  	(tag) =	ssettag $0x2  }
0x51: {  	s0 =	rddreg [dreg:$0x0];
	s2 =	stileid.u32  }
0x52: {  	s1 =	rddreg [dreg:$0x1];
	p0 =	sne.s32 s2, $0x0  }
0x53: {  	s3 =	rddreg [dreg:$0x2];
	[bflag:$0x3] =	sbarrier.arrive $0xFFFF;
	s2 =	simm.s32 @!p0 $0x1C05  }
0x54: {  	[timem:s3], [sflag:s2] =	dma.local @!p0 [hbm:s0], s1  }
0x55: {  	s0 =	simm.s32 @!p0 $0x5  }
0x56: {  	_ =	swait.ge @!p0 [sflag:s0], s1  }
0x57: {  	s1 =	ssub.s32 @!p0 $0x0, s1;
	[sflag:s0] =	ssyncset.done @!p0 $0x0  }
0x58: {  	[sflag:s0] =	ssyncadd.s32 @!p0 s1  }
0x59: {  	[bflag:$0x3] =	sbarrier.arrive $0xFFFF  }
0x5a: {  	_ =	shalt  }

</sc_bundles>
